<compile_context>
chip_gen: v7x
topology: tpu7x:2x2x1
jax: 0.10.2.dev20260603
libtpu: 0.0.44.dev20260713+nightly
codegen_flags: <defaults>
</compile_context>

<pallas_src>
import functools
import jax
import jax.numpy as jnp
from jax import lax
from jax.experimental import pallas as pl
from jax.experimental.pallas import tpu as pltpu
from jax.experimental.pallas import tpu_sc as plsc

LANE = 16
NC, NS = 2, 16
NW = NC * NS

HALF = 100
EPAD = 128


def _make_gather(B, L, V, E):
    n_rows = B * L
    assert L == 2 * HALF
    assert B % NW == 0
    seq_per_w = B // NW

    mesh = plsc.VectorSubcoreMesh(core_axis_name="c", subcore_axis_name="s")

    @functools.partial(
        pl.kernel,
        out_type=jax.ShapeDtypeStruct((n_rows, EPAD), jnp.float32),
        mesh=mesh,
        compiler_params=pltpu.CompilerParams(use_tc_tiling_on_sc=False),
        scratch_types=[
            pltpu.VMEM((2, HALF), jnp.int32),
            pltpu.VMEM((2, HALF), jnp.int32),
            pltpu.VMEM((L, E), jnp.float32),
            pltpu.VMEM((L, E), jnp.float32),
            pltpu.SemaphoreType.DMA,
            pltpu.SemaphoreType.DMA,
            pltpu.SemaphoreType.DMA,
            pltpu.SemaphoreType.DMA,
        ],
    )
    def gather(ids_hbm, tok_hbm, out_hbm,
               idx0, idx1, rows0, rows1, gs0, gs1, ss0, ss1):
        wid = lax.axis_index("s") * NC + lax.axis_index("c")
        seq0 = wid * seq_per_w

        idx = (idx0, idx1)
        rows = (rows0, rows1)
        gsem = (gs0, gs1)
        ssem = (ss0, ss1)

        def start_gather(s, b):
            pltpu.sync_copy(ids_hbm.at[seq0 + s], idx[b])
            pltpu.async_copy(tok_hbm.at[idx[b].at[0]],
                             rows[b].at[pl.ds(0, HALF)], gsem[b])
            pltpu.async_copy(tok_hbm.at[idx[b].at[1]],
                             rows[b].at[pl.ds(HALF, HALF)], gsem[b])

        def wait_gather(b):
            pltpu.make_async_copy(tok_hbm.at[pl.ds(0, L)], rows[b],
                                  gsem[b]).wait()

        def wait_store(b):
            pltpu.make_async_copy(rows[b],
                                  out_hbm.at[pl.ds(0, L), pl.ds(0, E)],
                                  ssem[b]).wait()

        def start_store(s, b):
            pltpu.async_copy(rows[b],
                             out_hbm.at[pl.ds((seq0 + s) * L, L),
                                        pl.ds(0, E)],
                             ssem[b])

        start_gather(0, 0)
        start_gather(1, 1)

        def phase(s, b):
            wait_gather(b)

            @pl.when(s >= 2)
            def _():
                wait_store(b)

            start_store(s, b)

            @pl.when(s + 2 < seq_per_w)
            def _():
                start_gather(s + 2, b)

        def outer(i2, carry):
            phase(i2 * 2, 0)
            phase(i2 * 2 + 1, 1)
            return carry

        lax.fori_loop(0, seq_per_w // 2, outer, 0)
        wait_store(0)
        wait_store(1)

    return gather


def _ln_block(x_ref, pos_ref, g_ref, b_ref, o_ref, *, bb, L, E):
    x = x_ref[...][:, :E].reshape(bb, L, E)
    x = x + pos_ref[...][None, :, :]
    mean = jnp.mean(x, axis=-1, keepdims=True)
    xc = x - mean
    var = jnp.mean(xc * xc, axis=-1, keepdims=True)
    y = xc * lax.rsqrt(var + jnp.float32(1e-12))
    o_ref[...] = y * g_ref[...][None, None, :] + b_ref[...][None, None, :]


def _make_ln(B, L, E, bb):
    grid = B // bb
    return pl.pallas_call(
        functools.partial(_ln_block, bb=bb, L=L, E=E),
        grid=(grid,),
        in_specs=[
            pl.BlockSpec((bb * L, EPAD), lambda i: (i, 0)),
            pl.BlockSpec((L, E), lambda i: (0, 0)),
            pl.BlockSpec((E,), lambda i: (0,)),
            pl.BlockSpec((E,), lambda i: (0,)),
        ],
        out_specs=pl.BlockSpec((bb, L, E), lambda i: (i, 0, 0)),
        out_shape=jax.ShapeDtypeStruct((B, L, E), jnp.float32),
    )


@jax.jit
def kernel(input_ids, token_table, pos_table, ln_gamma, ln_beta):
    B, L = input_ids.shape
    V, E = token_table.shape
    gather = _make_gather(B, L, V, E)
    ids3 = input_ids.astype(jnp.int32).reshape(B, 2, HALF)
    mid = gather(ids3, token_table)
    ln = _make_ln(B, L, E, bb=32)
    return ln(mid, pos_table[:L], ln_gamma, ln_beta)

# --- scband reference (transcript-rebuilt; emitter-appended) ---
"""Pipeline reference for scband-embeddings-28389733827021 (READ-ONLY COPY).

The authoritative reference and input builder live on the scoring server;
editing this copy changes nothing except your own understanding.
"""

import jax, jax.numpy as jnp
import numpy as np

VOCAB = 100000
EMBED = 64
MAX_SEQ = 512
B = 1024
L = 200

def setup_inputs(seed: int = 0) -> dict:
    key = jax.random.key(seed)
    k1, k2, k3 = jax.random.split(key, 3)
    input_ids = jax.random.randint(k1, (B, L), 0, VOCAB, dtype=jnp.int64) if jax.config.jax_enable_x64 else jax.random.randint(k1, (B, L), 0, VOCAB, dtype=jnp.int32)
    token_table = jax.random.normal(k2, (VOCAB, EMBED), dtype=jnp.float32) * 0.02
    pos_table = jax.random.normal(k3, (MAX_SEQ, EMBED), dtype=jnp.float32) * 0.02
    ln_gamma = jnp.ones((EMBED,), dtype=jnp.float32)
    ln_beta = jnp.zeros((EMBED,), dtype=jnp.float32)
    return {"input_ids": input_ids, "token_table": token_table, "pos_table": pos_table, "ln_gamma": ln_gamma, "ln_beta": ln_beta}

def _layernorm(x, gamma, beta, eps=1e-12):
    mean = jnp.mean(x, axis=-1, keepdims=True)
    var = jnp.mean((x - mean) ** 2, axis=-1, keepdims=True)
    xhat = (x - mean) / jnp.sqrt(var + eps)
    return xhat * gamma + beta

def reference(input_ids, token_table, pos_table, ln_gamma, ln_beta):
    seq_len = input_ids.shape[1]
    position_ids = jnp.arange(seq_len)
    token_embeddings = jnp.take(token_table, input_ids, axis=0)
    position_embeddings = jnp.take(pos_table, position_ids, axis=0)
    combined = token_embeddings + position_embeddings[None, :, :]
    out = _layernorm(combined, ln_gamma, ln_beta, eps=1e-12)
    # dropout is identity in eval mode
    return out

if __name__ == "__main__":
    import jax
    _d = setup_inputs()
    print(jax.jit(kernel)(*tuple(_d.values())))

</pallas_src>

<mosaic_0001>
#map = affine_map<(d0, d1) -> (0, 0, 0)>
#map1 = affine_map<(d0, d1) -> (0, 0)>
module attributes {stable_mosaic.version = 14 : i64} {
  func.func @gather(%arg0: i32, %arg1: i32, %arg2: memref<1024x2x100xi32, #tpu.memory_space<hbm>>, %arg3: memref<100000x64xf32, #tpu.memory_space<hbm>>, %arg4: memref<204800x128xf32, #tpu.memory_space<hbm>>, %arg5: memref<2x100xi32, #tpu.memory_space<vmem>>, %arg6: memref<2x100xi32, #tpu.memory_space<vmem>>, %arg7: memref<200x64xf32, #tpu.memory_space<vmem>>, %arg8: memref<200x64xf32, #tpu.memory_space<vmem>>, %arg9: memref<!tpu.dma_semaphore, #tpu.memory_space<semaphore_mem>>, %arg10: memref<!tpu.dma_semaphore, #tpu.memory_space<semaphore_mem>>, %arg11: memref<!tpu.dma_semaphore, #tpu.memory_space<semaphore_mem>>, %arg12: memref<!tpu.dma_semaphore, #tpu.memory_space<semaphore_mem>>) attributes {dimension_semantics = [#tpu.dimension_semantics<core_parallel>, #tpu.dimension_semantics<subcore_parallel>], iteration_bounds = array<i64: 2, 16>, scalar_prefetch = 0 : i64, scratch_operands = 8 : i64, tpu.core_type = #tpu.core_type<sc_vector_subcore>, window_params = [{transform_indices = #map}, {transform_indices = #map1}, {transform_indices = #map1}]} {
    %mul3A = arith.constant 2 : i32
    %mul3A_0 = arith.muli %arg1, %mul3A : i32
    %add3A = arith.addi %mul3A_0, %arg0 : i32
    %mul3A_1 = arith.constant 32 : i32
    %mul3A_2 = arith.muli %add3A, %mul3A_1 : i32
    %add3A_3 = arith.constant 0 : i32
    %add3A_4 = arith.addi %mul3A_2, %add3A_3 : i32
    "tpu.region"() ({
      %run_scoped3A = tpu.sem_alloc : memref<!tpu.dma_semaphore, #tpu.memory_space<semaphore_mem>>
      %dma_start3A_62 = arith.constant 0 : i32
      %dma_start3A_63 = arith.constant 0 : i32
      %dma_start3A_64 = tpu.memref_slice %arg2[%add3A_4, %dma_start3A_62, %dma_start3A_63] : memref<1024x2x100xi32, #tpu.memory_space<hbm>> -> memref<1x2x100xi32, #tpu.memory_space<hbm>>
      %dma_start3A_65 = tpu.memref_squeeze %dma_start3A_64 : memref<1x2x100xi32, #tpu.memory_space<hbm>> -> memref<2x100xi32, #tpu.memory_space<hbm>>
      %dma_start3A_66 = arith.constant 0 : i32
      %dma_start3A_67 = arith.constant 0 : i32
      %dma_start3A_68 = tpu.memref_slice %arg2[%add3A_4, %dma_start3A_66, %dma_start3A_67] : memref<1024x2x100xi32, #tpu.memory_space<hbm>> -> memref<1x2x100xi32, #tpu.memory_space<hbm>>
      %dma_start3A_69 = tpu.memref_squeeze %dma_start3A_68 : memref<1x2x100xi32, #tpu.memory_space<hbm>> -> memref<2x100xi32, #tpu.memory_space<hbm>>
      tpu.enqueue_dma source(%dma_start3A_69 : memref<2x100xi32, #tpu.memory_space<hbm>>) target(%arg5 : memref<2x100xi32, #tpu.memory_space<vmem>>) target_semaphore(%run_scoped3A : memref<!tpu.dma_semaphore, #tpu.memory_space<semaphore_mem>>)
      %dma_wait3A_70 = arith.constant 0 : i32
      %dma_wait3A_71 = arith.constant 0 : i32
      %dma_wait3A_72 = tpu.memref_slice %arg2[%add3A_4, %dma_wait3A_70, %dma_wait3A_71] : memref<1024x2x100xi32, #tpu.memory_space<hbm>> -> memref<1x2x100xi32, #tpu.memory_space<hbm>>
      %dma_wait3A_73 = tpu.memref_squeeze %dma_wait3A_72 : memref<1x2x100xi32, #tpu.memory_space<hbm>> -> memref<2x100xi32, #tpu.memory_space<hbm>>
      %dma_wait3A_74 = arith.constant 0 : i32
      %dma_wait3A_75 = arith.constant 0 : i32
      %dma_wait3A_76 = tpu.memref_slice %arg2[%add3A_4, %dma_wait3A_74, %dma_wait3A_75] : memref<1024x2x100xi32, #tpu.memory_space<hbm>> -> memref<1x2x100xi32, #tpu.memory_space<hbm>>
      %dma_wait3A_77 = tpu.memref_squeeze %dma_wait3A_76 : memref<1x2x100xi32, #tpu.memory_space<hbm>> -> memref<2x100xi32, #tpu.memory_space<hbm>>
      tpu.wait_dma2 semaphore(%run_scoped3A : memref<!tpu.dma_semaphore, #tpu.memory_space<semaphore_mem>>) src(%dma_wait3A_77 : memref<2x100xi32, #tpu.memory_space<hbm>>) dst(%arg5 : memref<2x100xi32, #tpu.memory_space<vmem>>)
      tpu.yield
    }) : () -> ()
    %dma_start3A = arith.constant 0 : i32
    %dma_start3A_5 = arith.constant 0 : i32
    %dma_start3A_6 = arith.constant 0 : i32
    %dma_start3A_7 = tpu.memref_slice %arg7[%dma_start3A_5, %dma_start3A_6] : memref<200x64xf32, #tpu.memory_space<vmem>> -> memref<100x64xf32, #tpu.memory_space<vmem>>
    %dma_start3A_8 = arith.constant 0 : i32
    %dma_start3A_9 = tpu.memref_slice %arg5[%dma_start3A, %dma_start3A_8] : memref<2x100xi32, #tpu.memory_space<vmem>> -> memref<1x100xi32, #tpu.memory_space<vmem>>
    %dma_start3A_10 = tpu.memref_squeeze %dma_start3A_9 : memref<1x100xi32, #tpu.memory_space<vmem>> -> memref<100xi32, #tpu.memory_space<vmem>>
    %dma_start3A_11 = arith.constant 0 : i32
    %dma_start3A_12 = arith.constant 0 : i32
    %dma_start3A_13 = tpu.memref_slice %arg3[%dma_start3A_11, %dma_start3A_12] : memref<100000x64xf32, #tpu.memory_space<hbm>> -> memref<100000x64xf32, #tpu.memory_space<hbm>>
    tpu.enqueue_indirect_dma source(%dma_start3A_13 : memref<100000x64xf32, #tpu.memory_space<hbm>>) target(%dma_start3A_7 : memref<100x64xf32, #tpu.memory_space<vmem>>) offsets(%dma_start3A_10 : memref<100xi32, #tpu.memory_space<vmem>>) semaphore(%arg9 : memref<!tpu.dma_semaphore, #tpu.memory_space<semaphore_mem>>)
    %dma_start3A_14 = arith.constant 1 : i32
    %dma_start3A_15 = arith.constant 100 : i32
    %dma_start3A_16 = arith.constant 0 : i32
    %dma_start3A_17 = tpu.memref_slice %arg7[%dma_start3A_15, %dma_start3A_16] : memref<200x64xf32, #tpu.memory_space<vmem>> -> memref<100x64xf32, #tpu.memory_space<vmem>>
    %dma_start3A_18 = arith.constant 0 : i32
    %dma_start3A_19 = tpu.memref_slice %arg5[%dma_start3A_14, %dma_start3A_18] : memref<2x100xi32, #tpu.memory_space<vmem>> -> memref<1x100xi32, #tpu.memory_space<vmem>>
    %dma_start3A_20 = tpu.memref_squeeze %dma_start3A_19 : memref<1x100xi32, #tpu.memory_space<vmem>> -> memref<100xi32, #tpu.memory_space<vmem>>
    %dma_start3A_21 = arith.constant 0 : i32
    %dma_start3A_22 = arith.constant 0 : i32
    %dma_start3A_23 = tpu.memref_slice %arg3[%dma_start3A_21, %dma_start3A_22] : memref<100000x64xf32, #tpu.memory_space<hbm>> -> memref<100000x64xf32, #tpu.memory_space<hbm>>
    tpu.enqueue_indirect_dma source(%dma_start3A_23 : memref<100000x64xf32, #tpu.memory_space<hbm>>) target(%dma_start3A_17 : memref<100x64xf32, #tpu.memory_space<vmem>>) offsets(%dma_start3A_20 : memref<100xi32, #tpu.memory_space<vmem>>) semaphore(%arg9 : memref<!tpu.dma_semaphore, #tpu.memory_space<semaphore_mem>>)
    %add3A_24 = arith.constant 1 : i32
    %add3A_25 = arith.addi %mul3A_2, %add3A_24 : i32
    "tpu.region"() ({
      %run_scoped3A = tpu.sem_alloc : memref<!tpu.dma_semaphore, #tpu.memory_space<semaphore_mem>>
      %dma_start3A_62 = arith.constant 0 : i32
      %dma_start3A_63 = arith.constant 0 : i32
      %dma_start3A_64 = tpu.memref_slice %arg2[%add3A_25, %dma_start3A_62, %dma_start3A_63] : memref<1024x2x100xi32, #tpu.memory_space<hbm>> -> memref<1x2x100xi32, #tpu.memory_space<hbm>>
      %dma_start3A_65 = tpu.memref_squeeze %dma_start3A_64 : memref<1x2x100xi32, #tpu.memory_space<hbm>> -> memref<2x100xi32, #tpu.memory_space<hbm>>
      %dma_start3A_66 = arith.constant 0 : i32
      %dma_start3A_67 = arith.constant 0 : i32
      %dma_start3A_68 = tpu.memref_slice %arg2[%add3A_25, %dma_start3A_66, %dma_start3A_67] : memref<1024x2x100xi32, #tpu.memory_space<hbm>> -> memref<1x2x100xi32, #tpu.memory_space<hbm>>
      %dma_start3A_69 = tpu.memref_squeeze %dma_start3A_68 : memref<1x2x100xi32, #tpu.memory_space<hbm>> -> memref<2x100xi32, #tpu.memory_space<hbm>>
      tpu.enqueue_dma source(%dma_start3A_69 : memref<2x100xi32, #tpu.memory_space<hbm>>) target(%arg6 : memref<2x100xi32, #tpu.memory_space<vmem>>) target_semaphore(%run_scoped3A : memref<!tpu.dma_semaphore, #tpu.memory_space<semaphore_mem>>)
      %dma_wait3A_70 = arith.constant 0 : i32
      %dma_wait3A_71 = arith.constant 0 : i32
      %dma_wait3A_72 = tpu.memref_slice %arg2[%add3A_25, %dma_wait3A_70, %dma_wait3A_71] : memref<1024x2x100xi32, #tpu.memory_space<hbm>> -> memref<1x2x100xi32, #tpu.memory_space<hbm>>
      %dma_wait3A_73 = tpu.memref_squeeze %dma_wait3A_72 : memref<1x2x100xi32, #tpu.memory_space<hbm>> -> memref<2x100xi32, #tpu.memory_space<hbm>>
      %dma_wait3A_74 = arith.constant 0 : i32
      %dma_wait3A_75 = arith.constant 0 : i32
      %dma_wait3A_76 = tpu.memref_slice %arg2[%add3A_25, %dma_wait3A_74, %dma_wait3A_75] : memref<1024x2x100xi32, #tpu.memory_space<hbm>> -> memref<1x2x100xi32, #tpu.memory_space<hbm>>
      %dma_wait3A_77 = tpu.memref_squeeze %dma_wait3A_76 : memref<1x2x100xi32, #tpu.memory_space<hbm>> -> memref<2x100xi32, #tpu.memory_space<hbm>>
      tpu.wait_dma2 semaphore(%run_scoped3A : memref<!tpu.dma_semaphore, #tpu.memory_space<semaphore_mem>>) src(%dma_wait3A_77 : memref<2x100xi32, #tpu.memory_space<hbm>>) dst(%arg6 : memref<2x100xi32, #tpu.memory_space<vmem>>)
      tpu.yield
    }) : () -> ()
    %dma_start3A_26 = arith.constant 0 : i32
    %dma_start3A_27 = arith.constant 0 : i32
    %dma_start3A_28 = arith.constant 0 : i32
    %dma_start3A_29 = tpu.memref_slice %arg8[%dma_start3A_27, %dma_start3A_28] : memref<200x64xf32, #tpu.memory_space<vmem>> -> memref<100x64xf32, #tpu.memory_space<vmem>>
    %dma_start3A_30 = arith.constant 0 : i32
    %dma_start3A_31 = tpu.memref_slice %arg6[%dma_start3A_26, %dma_start3A_30] : memref<2x100xi32, #tpu.memory_space<vmem>> -> memref<1x100xi32, #tpu.memory_space<vmem>>
    %dma_start3A_32 = tpu.memref_squeeze %dma_start3A_31 : memref<1x100xi32, #tpu.memory_space<vmem>> -> memref<100xi32, #tpu.memory_space<vmem>>
    %dma_start3A_33 = arith.constant 0 : i32
    %dma_start3A_34 = arith.constant 0 : i32
    %dma_start3A_35 = tpu.memref_slice %arg3[%dma_start3A_33, %dma_start3A_34] : memref<100000x64xf32, #tpu.memory_space<hbm>> -> memref<100000x64xf32, #tpu.memory_space<hbm>>
    tpu.enqueue_indirect_dma source(%dma_start3A_35 : memref<100000x64xf32, #tpu.memory_space<hbm>>) target(%dma_start3A_29 : memref<100x64xf32, #tpu.memory_space<vmem>>) offsets(%dma_start3A_32 : memref<100xi32, #tpu.memory_space<vmem>>) semaphore(%arg10 : memref<!tpu.dma_semaphore, #tpu.memory_space<semaphore_mem>>)
    %dma_start3A_36 = arith.constant 1 : i32
    %dma_start3A_37 = arith.constant 100 : i32
    %dma_start3A_38 = arith.constant 0 : i32
    %dma_start3A_39 = tpu.memref_slice %arg8[%dma_start3A_37, %dma_start3A_38] : memref<200x64xf32, #tpu.memory_space<vmem>> -> memref<100x64xf32, #tpu.memory_space<vmem>>
    %dma_start3A_40 = arith.constant 0 : i32
    %dma_start3A_41 = tpu.memref_slice %arg6[%dma_start3A_36, %dma_start3A_40] : memref<2x100xi32, #tpu.memory_space<vmem>> -> memref<1x100xi32, #tpu.memory_space<vmem>>
    %dma_start3A_42 = tpu.memref_squeeze %dma_start3A_41 : memref<1x100xi32, #tpu.memory_space<vmem>> -> memref<100xi32, #tpu.memory_space<vmem>>
    %dma_start3A_43 = arith.constant 0 : i32
    %dma_start3A_44 = arith.constant 0 : i32
    %dma_start3A_45 = tpu.memref_slice %arg3[%dma_start3A_43, %dma_start3A_44] : memref<100000x64xf32, #tpu.memory_space<hbm>> -> memref<100000x64xf32, #tpu.memory_space<hbm>>
    tpu.enqueue_indirect_dma source(%dma_start3A_45 : memref<100000x64xf32, #tpu.memory_space<hbm>>) target(%dma_start3A_39 : memref<100x64xf32, #tpu.memory_space<vmem>>) offsets(%dma_start3A_42 : memref<100xi32, #tpu.memory_space<vmem>>) semaphore(%arg10 : memref<!tpu.dma_semaphore, #tpu.memory_space<semaphore_mem>>)
    %scan3A = arith.constant 0 : i32
    %scan3A_46 = arith.constant 0 : i32
    %scan3A_47 = arith.constant 16 : i32
    %scan3A_48 = arith.addi %scan3A_46, %scan3A_47 : i32
    %scan3A_49 = arith.constant 1 : i32
    scf.for %scan3A_62 = %scan3A_46 to %scan3A_48 step %scan3A_49  : i32 {
      %mul3A_63 = arith.constant 2 : i32
      %mul3A_64 = arith.muli %scan3A_62, %mul3A_63 : i32
      %dma_wait3A_65 = arith.constant 0 : i32
      %dma_wait3A_66 = arith.constant 0 : i32
      %dma_wait3A_67 = tpu.memref_slice %arg3[%dma_wait3A_65, %dma_wait3A_66] : memref<100000x64xf32, #tpu.memory_space<hbm>> -> memref<200x64xf32, #tpu.memory_space<hbm>>
      %dma_wait3A_68 = arith.constant 0 : i32
      %dma_wait3A_69 = arith.constant 0 : i32
      %dma_wait3A_70 = tpu.memref_slice %arg3[%dma_wait3A_68, %dma_wait3A_69] : memref<100000x64xf32, #tpu.memory_space<hbm>> -> memref<200x64xf32, #tpu.memory_space<hbm>>
      tpu.wait_dma2 semaphore(%arg9 : memref<!tpu.dma_semaphore, #tpu.memory_space<semaphore_mem>>) src(%dma_wait3A_70 : memref<200x64xf32, #tpu.memory_space<hbm>>) dst(%arg7 : memref<200x64xf32, #tpu.memory_space<vmem>>)
      %ge3A = arith.constant 2 : i32
      %ge3A_71 = arith.cmpi sge, %mul3A_64, %ge3A : i32
      %convert_element_type3A = arith.extui %ge3A_71 : i1 to i32
      %cond3A = arith.constant 0 : i32
      %cond3A_72 = arith.cmpi ne, %convert_element_type3A, %cond3A : i32
      scf.if %cond3A_72 {
        %dma_wait3A_115 = arith.constant 0 : i32
        %dma_wait3A_116 = arith.constant 0 : i32
        %dma_wait3A_117 = tpu.memref_slice %arg4[%dma_wait3A_115, %dma_wait3A_116] : memref<204800x128xf32, #tpu.memory_space<hbm>> -> memref<200x64xf32, #tpu.memory_space<hbm>>
        %dma_wait3A_118 = arith.constant 0 : i32
        %dma_wait3A_119 = arith.constant 0 : i32
        %dma_wait3A_120 = tpu.memref_slice %arg4[%dma_wait3A_118, %dma_wait3A_119] : memref<204800x128xf32, #tpu.memory_space<hbm>> -> memref<200x64xf32, #tpu.memory_space<hbm>>
        tpu.wait_dma2 semaphore(%arg11 : memref<!tpu.dma_semaphore, #tpu.memory_space<semaphore_mem>>) src(%arg7 : memref<200x64xf32, #tpu.memory_space<vmem>>) dst(%dma_wait3A_120 : memref<200x64xf32, #tpu.memory_space<hbm>>)
      } else {
      }
      %add3A_73 = arith.addi %mul3A_2, %mul3A_64 : i32
      %mul3A_74 = arith.constant 200 : i32
      %mul3A_75 = arith.muli %add3A_73, %mul3A_74 : i32
      %dma_start3A_76 = arith.constant 0 : i32
      %dma_start3A_77 = tpu.memref_slice %arg4[%mul3A_75, %dma_start3A_76] : memref<204800x128xf32, #tpu.memory_space<hbm>> -> memref<200x64xf32, #tpu.memory_space<hbm>>
      %dma_start3A_78 = arith.constant 0 : i32
      %dma_start3A_79 = tpu.memref_slice %arg4[%mul3A_75, %dma_start3A_78] : memref<204800x128xf32, #tpu.memory_space<hbm>> -> memref<200x64xf32, #tpu.memory_space<hbm>>
      tpu.enqueue_dma source(%arg7 : memref<200x64xf32, #tpu.memory_space<vmem>>) target(%dma_start3A_79 : memref<200x64xf32, #tpu.memory_space<hbm>>) target_semaphore(%arg11 : memref<!tpu.dma_semaphore, #tpu.memory_space<semaphore_mem>>)
      %add3A_80 = arith.constant 2 : i32
      %add3A_81 = arith.addi %mul3A_64, %add3A_80 : i32
      %lt3A = arith.constant 32 : i32
      %lt3A_82 = arith.cmpi slt, %add3A_81, %lt3A : i32
      %convert_element_type3A_83 = arith.extui %lt3A_82 : i1 to i32
      %cond3A_84 = arith.constant 0 : i32
      %cond3A_85 = arith.cmpi ne, %convert_element_type3A_83, %cond3A_84 : i32
      scf.if %cond3A_85 {
        %add3A_115 = arith.constant 2 : i32
        %add3A_116 = arith.addi %mul3A_64, %add3A_115 : i32
        %add3A_117 = arith.addi %mul3A_2, %add3A_116 : i32
        "tpu.region"() ({
          %run_scoped3A = tpu.sem_alloc : memref<!tpu.dma_semaphore, #tpu.memory_space<semaphore_mem>>
          %dma_start3A_138 = arith.constant 0 : i32
          %dma_start3A_139 = arith.constant 0 : i32
          %dma_start3A_140 = tpu.memref_slice %arg2[%add3A_117, %dma_start3A_138, %dma_start3A_139] : memref<1024x2x100xi32, #tpu.memory_space<hbm>> -> memref<1x2x100xi32, #tpu.memory_space<hbm>>
          %dma_start3A_141 = tpu.memref_squeeze %dma_start3A_140 : memref<1x2x100xi32, #tpu.memory_space<hbm>> -> memref<2x100xi32, #tpu.memory_space<hbm>>
          %dma_start3A_142 = arith.constant 0 : i32
          %dma_start3A_143 = arith.constant 0 : i32
          %dma_start3A_144 = tpu.memref_slice %arg2[%add3A_117, %dma_start3A_142, %dma_start3A_143] : memref<1024x2x100xi32, #tpu.memory_space<hbm>> -> memref<1x2x100xi32, #tpu.memory_space<hbm>>
          %dma_start3A_145 = tpu.memref_squeeze %dma_start3A_144 : memref<1x2x100xi32, #tpu.memory_space<hbm>> -> memref<2x100xi32, #tpu.memory_space<hbm>>
          tpu.enqueue_dma source(%dma_start3A_145 : memref<2x100xi32, #tpu.memory_space<hbm>>) target(%arg5 : memref<2x100xi32, #tpu.memory_space<vmem>>) target_semaphore(%run_scoped3A : memref<!tpu.dma_semaphore, #tpu.memory_space<semaphore_mem>>)
          %dma_wait3A_146 = arith.constant 0 : i32
          %dma_wait3A_147 = arith.constant 0 : i32
          %dma_wait3A_148 = tpu.memref_slice %arg2[%add3A_117, %dma_wait3A_146, %dma_wait3A_147] : memref<1024x2x100xi32, #tpu.memory_space<hbm>> -> memref<1x2x100xi32, #tpu.memory_space<hbm>>
          %dma_wait3A_149 = tpu.memref_squeeze %dma_wait3A_148 : memref<1x2x100xi32, #tpu.memory_space<hbm>> -> memref<2x100xi32, #tpu.memory_space<hbm>>
          %dma_wait3A_150 = arith.constant 0 : i32
          %dma_wait3A_151 = arith.constant 0 : i32
          %dma_wait3A_152 = tpu.memref_slice %arg2[%add3A_117, %dma_wait3A_150, %dma_wait3A_151] : memref<1024x2x100xi32, #tpu.memory_space<hbm>> -> memref<1x2x100xi32, #tpu.memory_space<hbm>>
          %dma_wait3A_153 = tpu.memref_squeeze %dma_wait3A_152 : memref<1x2x100xi32, #tpu.memory_space<hbm>> -> memref<2x100xi32, #tpu.memory_space<hbm>>
          tpu.wait_dma2 semaphore(%run_scoped3A : memref<!tpu.dma_semaphore, #tpu.memory_space<semaphore_mem>>) src(%dma_wait3A_153 : memref<2x100xi32, #tpu.memory_space<hbm>>) dst(%arg5 : memref<2x100xi32, #tpu.memory_space<vmem>>)
          tpu.yield
        }) : () -> ()
        %dma_start3A_118 = arith.constant 0 : i32
        %dma_start3A_119 = arith.constant 0 : i32
        %dma_start3A_120 = arith.constant 0 : i32
        %dma_start3A_121 = tpu.memref_slice %arg7[%dma_start3A_119, %dma_start3A_120] : memref<200x64xf32, #tpu.memory_space<vmem>> -> memref<100x64xf32, #tpu.memory_space<vmem>>
        %dma_start3A_122 = arith.constant 0 : i32
        %dma_start3A_123 = tpu.memref_slice %arg5[%dma_start3A_118, %dma_start3A_122] : memref<2x100xi32, #tpu.memory_space<vmem>> -> memref<1x100xi32, #tpu.memory_space<vmem>>
        %dma_start3A_124 = tpu.memref_squeeze %dma_start3A_123 : memref<1x100xi32, #tpu.memory_space<vmem>> -> memref<100xi32, #tpu.memory_space<vmem>>
        %dma_start3A_125 = arith.constant 0 : i32
        %dma_start3A_126 = arith.constant 0 : i32
        %dma_start3A_127 = tpu.memref_slice %arg3[%dma_start3A_125, %dma_start3A_126] : memref<100000x64xf32, #tpu.memory_space<hbm>> -> memref<100000x64xf32, #tpu.memory_space<hbm>>
        tpu.enqueue_indirect_dma source(%dma_start3A_127 : memref<100000x64xf32, #tpu.memory_space<hbm>>) target(%dma_start3A_121 : memref<100x64xf32, #tpu.memory_space<vmem>>) offsets(%dma_start3A_124 : memref<100xi32, #tpu.memory_space<vmem>>) semaphore(%arg9 : memref<!tpu.dma_semaphore, #tpu.memory_space<semaphore_mem>>)
        %dma_start3A_128 = arith.constant 1 : i32
        %dma_start3A_129 = arith.constant 100 : i32
        %dma_start3A_130 = arith.constant 0 : i32
        %dma_start3A_131 = tpu.memref_slice %arg7[%dma_start3A_129, %dma_start3A_130] : memref<200x64xf32, #tpu.memory_space<vmem>> -> memref<100x64xf32, #tpu.memory_space<vmem>>
        %dma_start3A_132 = arith.constant 0 : i32
        %dma_start3A_133 = tpu.memref_slice %arg5[%dma_start3A_128, %dma_start3A_132] : memref<2x100xi32, #tpu.memory_space<vmem>> -> memref<1x100xi32, #tpu.memory_space<vmem>>
        %dma_start3A_134 = tpu.memref_squeeze %dma_start3A_133 : memref<1x100xi32, #tpu.memory_space<vmem>> -> memref<100xi32, #tpu.memory_space<vmem>>
        %dma_start3A_135 = arith.constant 0 : i32
        %dma_start3A_136 = arith.constant 0 : i32
        %dma_start3A_137 = tpu.memref_slice %arg3[%dma_start3A_135, %dma_start3A_136] : memref<100000x64xf32, #tpu.memory_space<hbm>> -> memref<100000x64xf32, #tpu.memory_space<hbm>>
        tpu.enqueue_indirect_dma source(%dma_start3A_137 : memref<100000x64xf32, #tpu.memory_space<hbm>>) target(%dma_start3A_131 : memref<100x64xf32, #tpu.memory_space<vmem>>) offsets(%dma_start3A_134 : memref<100xi32, #tpu.memory_space<vmem>>) semaphore(%arg9 : memref<!tpu.dma_semaphore, #tpu.memory_space<semaphore_mem>>)
      } else {
      }
      %mul3A_86 = arith.constant 2 : i32
      %mul3A_87 = arith.muli %scan3A_62, %mul3A_86 : i32
      %add3A_88 = arith.constant 1 : i32
      %add3A_89 = arith.addi %mul3A_87, %add3A_88 : i32
      %dma_wait3A_90 = arith.constant 0 : i32
      %dma_wait3A_91 = arith.constant 0 : i32
      %dma_wait3A_92 = tpu.memref_slice %arg3[%dma_wait3A_90, %dma_wait3A_91] : memref<100000x64xf32, #tpu.memory_space<hbm>> -> memref<200x64xf32, #tpu.memory_space<hbm>>
      %dma_wait3A_93 = arith.constant 0 : i32
      %dma_wait3A_94 = arith.constant 0 : i32
      %dma_wait3A_95 = tpu.memref_slice %arg3[%dma_wait3A_93, %dma_wait3A_94] : memref<100000x64xf32, #tpu.memory_space<hbm>> -> memref<200x64xf32, #tpu.memory_space<hbm>>
      tpu.wait_dma2 semaphore(%arg10 : memref<!tpu.dma_semaphore, #tpu.memory_space<semaphore_mem>>) src(%dma_wait3A_95 : memref<200x64xf32, #tpu.memory_space<hbm>>) dst(%arg8 : memref<200x64xf32, #tpu.memory_space<vmem>>)
      %ge3A_96 = arith.constant 2 : i32
      %ge3A_97 = arith.cmpi sge, %add3A_89, %ge3A_96 : i32
      %convert_element_type3A_98 = arith.extui %ge3A_97 : i1 to i32
      %cond3A_99 = arith.constant 0 : i32
      %cond3A_100 = arith.cmpi ne, %convert_element_type3A_98, %cond3A_99 : i32
      scf.if %cond3A_100 {
        %dma_wait3A_115 = arith.constant 0 : i32
        %dma_wait3A_116 = arith.constant 0 : i32
        %dma_wait3A_117 = tpu.memref_slice %arg4[%dma_wait3A_115, %dma_wait3A_116] : memref<204800x128xf32, #tpu.memory_space<hbm>> -> memref<200x64xf32, #tpu.memory_space<hbm>>
        %dma_wait3A_118 = arith.constant 0 : i32
        %dma_wait3A_119 = arith.constant 0 : i32
        %dma_wait3A_120 = tpu.memref_slice %arg4[%dma_wait3A_118, %dma_wait3A_119] : memref<204800x128xf32, #tpu.memory_space<hbm>> -> memref<200x64xf32, #tpu.memory_space<hbm>>
        tpu.wait_dma2 semaphore(%arg12 : memref<!tpu.dma_semaphore, #tpu.memory_space<semaphore_mem>>) src(%arg8 : memref<200x64xf32, #tpu.memory_space<vmem>>) dst(%dma_wait3A_120 : memref<200x64xf32, #tpu.memory_space<hbm>>)
      } else {
      }
      %add3A_101 = arith.addi %mul3A_2, %add3A_89 : i32
      %mul3A_102 = arith.constant 200 : i32
      %mul3A_103 = arith.muli %add3A_101, %mul3A_102 : i32
      %dma_start3A_104 = arith.constant 0 : i32
      %dma_start3A_105 = tpu.memref_slice %arg4[%mul3A_103, %dma_start3A_104] : memref<204800x128xf32, #tpu.memory_space<hbm>> -> memref<200x64xf32, #tpu.memory_space<hbm>>
      %dma_start3A_106 = arith.constant 0 : i32
      %dma_start3A_107 = tpu.memref_slice %arg4[%mul3A_103, %dma_start3A_106] : memref<204800x128xf32, #tpu.memory_space<hbm>> -> memref<200x64xf32, #tpu.memory_space<hbm>>
      tpu.enqueue_dma source(%arg8 : memref<200x64xf32, #tpu.memory_space<vmem>>) target(%dma_start3A_107 : memref<200x64xf32, #tpu.memory_space<hbm>>) target_semaphore(%arg12 : memref<!tpu.dma_semaphore, #tpu.memory_space<semaphore_mem>>)
      %add3A_108 = arith.constant 2 : i32
      %add3A_109 = arith.addi %add3A_89, %add3A_108 : i32
      %lt3A_110 = arith.constant 32 : i32
      %lt3A_111 = arith.cmpi slt, %add3A_109, %lt3A_110 : i32
      %convert_element_type3A_112 = arith.extui %lt3A_111 : i1 to i32
      %cond3A_113 = arith.constant 0 : i32
      %cond3A_114 = arith.cmpi ne, %convert_element_type3A_112, %cond3A_113 : i32
      scf.if %cond3A_114 {
        %add3A_115 = arith.constant 2 : i32
        %add3A_116 = arith.addi %add3A_89, %add3A_115 : i32
        %add3A_117 = arith.addi %mul3A_2, %add3A_116 : i32
        "tpu.region"() ({
          %run_scoped3A = tpu.sem_alloc : memref<!tpu.dma_semaphore, #tpu.memory_space<semaphore_mem>>
          %dma_start3A_138 = arith.constant 0 : i32
          %dma_start3A_139 = arith.constant 0 : i32
          %dma_start3A_140 = tpu.memref_slice %arg2[%add3A_117, %dma_start3A_138, %dma_start3A_139] : memref<1024x2x100xi32, #tpu.memory_space<hbm>> -> memref<1x2x100xi32, #tpu.memory_space<hbm>>
          %dma_start3A_141 = tpu.memref_squeeze %dma_start3A_140 : memref<1x2x100xi32, #tpu.memory_space<hbm>> -> memref<2x100xi32, #tpu.memory_space<hbm>>
          %dma_start3A_142 = arith.constant 0 : i32
          %dma_start3A_143 = arith.constant 0 : i32
          %dma_start3A_144 = tpu.memref_slice %arg2[%add3A_117, %dma_start3A_142, %dma_start3A_143] : memref<1024x2x100xi32, #tpu.memory_space<hbm>> -> memref<1x2x100xi32, #tpu.memory_space<hbm>>
          %dma_start3A_145 = tpu.memref_squeeze %dma_start3A_144 : memref<1x2x100xi32, #tpu.memory_space<hbm>> -> memref<2x100xi32, #tpu.memory_space<hbm>>
          tpu.enqueue_dma source(%dma_start3A_145 : memref<2x100xi32, #tpu.memory_space<hbm>>) target(%arg6 : memref<2x100xi32, #tpu.memory_space<vmem>>) target_semaphore(%run_scoped3A : memref<!tpu.dma_semaphore, #tpu.memory_space<semaphore_mem>>)
          %dma_wait3A_146 = arith.constant 0 : i32
          %dma_wait3A_147 = arith.constant 0 : i32
          %dma_wait3A_148 = tpu.memref_slice %arg2[%add3A_117, %dma_wait3A_146, %dma_wait3A_147] : memref<1024x2x100xi32, #tpu.memory_space<hbm>> -> memref<1x2x100xi32, #tpu.memory_space<hbm>>
          %dma_wait3A_149 = tpu.memref_squeeze %dma_wait3A_148 : memref<1x2x100xi32, #tpu.memory_space<hbm>> -> memref<2x100xi32, #tpu.memory_space<hbm>>
          %dma_wait3A_150 = arith.constant 0 : i32
          %dma_wait3A_151 = arith.constant 0 : i32
          %dma_wait3A_152 = tpu.memref_slice %arg2[%add3A_117, %dma_wait3A_150, %dma_wait3A_151] : memref<1024x2x100xi32, #tpu.memory_space<hbm>> -> memref<1x2x100xi32, #tpu.memory_space<hbm>>
          %dma_wait3A_153 = tpu.memref_squeeze %dma_wait3A_152 : memref<1x2x100xi32, #tpu.memory_space<hbm>> -> memref<2x100xi32, #tpu.memory_space<hbm>>
          tpu.wait_dma2 semaphore(%run_scoped3A : memref<!tpu.dma_semaphore, #tpu.memory_space<semaphore_mem>>) src(%dma_wait3A_153 : memref<2x100xi32, #tpu.memory_space<hbm>>) dst(%arg6 : memref<2x100xi32, #tpu.memory_space<vmem>>)
          tpu.yield
        }) : () -> ()
        %dma_start3A_118 = arith.constant 0 : i32
        %dma_start3A_119 = arith.constant 0 : i32
        %dma_start3A_120 = arith.constant 0 : i32
        %dma_start3A_121 = tpu.memref_slice %arg8[%dma_start3A_119, %dma_start3A_120] : memref<200x64xf32, #tpu.memory_space<vmem>> -> memref<100x64xf32, #tpu.memory_space<vmem>>
        %dma_start3A_122 = arith.constant 0 : i32
        %dma_start3A_123 = tpu.memref_slice %arg6[%dma_start3A_118, %dma_start3A_122] : memref<2x100xi32, #tpu.memory_space<vmem>> -> memref<1x100xi32, #tpu.memory_space<vmem>>
        %dma_start3A_124 = tpu.memref_squeeze %dma_start3A_123 : memref<1x100xi32, #tpu.memory_space<vmem>> -> memref<100xi32, #tpu.memory_space<vmem>>
        %dma_start3A_125 = arith.constant 0 : i32
        %dma_start3A_126 = arith.constant 0 : i32
        %dma_start3A_127 = tpu.memref_slice %arg3[%dma_start3A_125, %dma_start3A_126] : memref<100000x64xf32, #tpu.memory_space<hbm>> -> memref<100000x64xf32, #tpu.memory_space<hbm>>
        tpu.enqueue_indirect_dma source(%dma_start3A_127 : memref<100000x64xf32, #tpu.memory_space<hbm>>) target(%dma_start3A_121 : memref<100x64xf32, #tpu.memory_space<vmem>>) offsets(%dma_start3A_124 : memref<100xi32, #tpu.memory_space<vmem>>) semaphore(%arg10 : memref<!tpu.dma_semaphore, #tpu.memory_space<semaphore_mem>>)
        %dma_start3A_128 = arith.constant 1 : i32
        %dma_start3A_129 = arith.constant 100 : i32
        %dma_start3A_130 = arith.constant 0 : i32
        %dma_start3A_131 = tpu.memref_slice %arg8[%dma_start3A_129, %dma_start3A_130] : memref<200x64xf32, #tpu.memory_space<vmem>> -> memref<100x64xf32, #tpu.memory_space<vmem>>
        %dma_start3A_132 = arith.constant 0 : i32
        %dma_start3A_133 = tpu.memref_slice %arg6[%dma_start3A_128, %dma_start3A_132] : memref<2x100xi32, #tpu.memory_space<vmem>> -> memref<1x100xi32, #tpu.memory_space<vmem>>
        %dma_start3A_134 = tpu.memref_squeeze %dma_start3A_133 : memref<1x100xi32, #tpu.memory_space<vmem>> -> memref<100xi32, #tpu.memory_space<vmem>>
        %dma_start3A_135 = arith.constant 0 : i32
        %dma_start3A_136 = arith.constant 0 : i32
        %dma_start3A_137 = tpu.memref_slice %arg3[%dma_start3A_135, %dma_start3A_136] : memref<100000x64xf32, #tpu.memory_space<hbm>> -> memref<100000x64xf32, #tpu.memory_space<hbm>>
        tpu.enqueue_indirect_dma source(%dma_start3A_137 : memref<100000x64xf32, #tpu.memory_space<hbm>>) target(%dma_start3A_131 : memref<100x64xf32, #tpu.memory_space<vmem>>) offsets(%dma_start3A_134 : memref<100xi32, #tpu.memory_space<vmem>>) semaphore(%arg10 : memref<!tpu.dma_semaphore, #tpu.memory_space<semaphore_mem>>)
      } else {
      }
    }
    %scan3A_50 = arith.constant 16 : i32
    %dma_wait3A = arith.constant 0 : i32
    %dma_wait3A_51 = arith.constant 0 : i32
    %dma_wait3A_52 = tpu.memref_slice %arg4[%dma_wait3A, %dma_wait3A_51] : memref<204800x128xf32, #tpu.memory_space<hbm>> -> memref<200x64xf32, #tpu.memory_space<hbm>>
    %dma_wait3A_53 = arith.constant 0 : i32
    %dma_wait3A_54 = arith.constant 0 : i32
    %dma_wait3A_55 = tpu.memref_slice %arg4[%dma_wait3A_53, %dma_wait3A_54] : memref<204800x128xf32, #tpu.memory_space<hbm>> -> memref<200x64xf32, #tpu.memory_space<hbm>>
    tpu.wait_dma2 semaphore(%arg11 : memref<!tpu.dma_semaphore, #tpu.memory_space<semaphore_mem>>) src(%arg7 : memref<200x64xf32, #tpu.memory_space<vmem>>) dst(%dma_wait3A_55 : memref<200x64xf32, #tpu.memory_space<hbm>>)
    %dma_wait3A_56 = arith.constant 0 : i32
    %dma_wait3A_57 = arith.constant 0 : i32
    %dma_wait3A_58 = tpu.memref_slice %arg4[%dma_wait3A_56, %dma_wait3A_57] : memref<204800x128xf32, #tpu.memory_space<hbm>> -> memref<200x64xf32, #tpu.memory_space<hbm>>
    %dma_wait3A_59 = arith.constant 0 : i32
    %dma_wait3A_60 = arith.constant 0 : i32
    %dma_wait3A_61 = tpu.memref_slice %arg4[%dma_wait3A_59, %dma_wait3A_60] : memref<204800x128xf32, #tpu.memory_space<hbm>> -> memref<200x64xf32, #tpu.memory_space<hbm>>
    tpu.wait_dma2 semaphore(%arg12 : memref<!tpu.dma_semaphore, #tpu.memory_space<semaphore_mem>>) src(%arg8 : memref<200x64xf32, #tpu.memory_space<vmem>>) dst(%dma_wait3A_61 : memref<200x64xf32, #tpu.memory_space<hbm>>)
    return
  }
}

module attributes {stable_mosaic.version = 14 : i64} {
  func.func @_ln_block(%arg0: i32, %arg1: memref<6400x128xf32, #tpu.memory_space<vmem>>, %arg2: memref<200x64xf32, #tpu.memory_space<vmem>>, %arg3: memref<64xf32, #tpu.memory_space<vmem>>, %arg4: memref<64xf32, #tpu.memory_space<vmem>>, %arg5: memref<32x200x64xf32, #tpu.memory_space<vmem>>) attributes {dimension_semantics = [#tpu.dimension_semantics<arbitrary>], iteration_bounds = array<i64: 32>, scalar_prefetch = 0 : i64, scratch_operands = 0 : i64, tpu.core_type = #tpu.core_type<tc>, window_params = [{transform_indices = @transform_0, window_bounds = array<i64: 6400, 128>}, {pipeline_mode = #tpu.pipeline_mode<synchronous>, transform_indices = @transform_1, window_bounds = array<i64: 200, 64>}, {pipeline_mode = #tpu.pipeline_mode<synchronous>, transform_indices = @transform_2, window_bounds = array<i64: 64>}, {pipeline_mode = #tpu.pipeline_mode<synchronous>, transform_indices = @transform_3, window_bounds = array<i64: 64>}, {transform_indices = @transform_4, window_bounds = array<i64: 32, 200, 64>}]} {
    %get3A = arith.constant 0 : index
    %get3A_0 = arith.constant 0 : index
    %get3A_1 = vector.load %arg1[%get3A, %get3A_0] : memref<6400x128xf32, #tpu.memory_space<vmem>>, vector<6400x128xf32>
    %slice3A = vector.extract_strided_slice %get3A_1 {offsets = [0, 0], sizes = [6400, 64], strides = [1, 1]} : vector<6400x128xf32> to vector<6400x64xf32>
    %reshape3A = vector.shape_cast %slice3A : vector<6400x64xf32> to vector<32x200x64xf32>
    %get3A_2 = arith.constant 0 : index
    %get3A_3 = arith.constant 0 : index
    %get3A_4 = vector.load %arg2[%get3A_2, %get3A_3] : memref<200x64xf32, #tpu.memory_space<vmem>>, vector<200x64xf32>
    %broadcast_in_dim3A = vector.shape_cast %get3A_4 : vector<200x64xf32> to vector<1x200x64xf32>
    %add3A = vector.broadcast %broadcast_in_dim3A : vector<1x200x64xf32> to vector<32x200x64xf32>
    %add3A_5 = arith.addf %reshape3A, %add3A : vector<32x200x64xf32>
    %reduce_sum3A = arith.constant dense<0.000000e+00> : vector<32x200xf32>
    %reduce_sum3A_6 = vector.multi_reduction <add>, %add3A_5, %reduce_sum3A [2] : vector<32x200x64xf32> to vector<32x200xf32>
    %broadcast_in_dim3A_7 = vector.shape_cast %reduce_sum3A_6 : vector<32x200xf32> to vector<32x200x1xf32>
    %div3A = arith.constant 6.400000e+01 : f32
    %div3A_8 = vector.broadcast %div3A : f32 to vector<32x200x1xf32>
    %div3A_9 = arith.divf %broadcast_in_dim3A_7, %div3A_8 : vector<32x200x1xf32>
    %sub3A = vector.broadcast %div3A_9 : vector<32x200x1xf32> to vector<32x200x64xf32>
    %sub3A_10 = arith.subf %add3A_5, %sub3A : vector<32x200x64xf32>
    %mul3A = arith.mulf %sub3A_10, %sub3A_10 : vector<32x200x64xf32>
    %reduce_sum3A_11 = arith.constant dense<0.000000e+00> : vector<32x200xf32>
    %reduce_sum3A_12 = vector.multi_reduction <add>, %mul3A, %reduce_sum3A_11 [2] : vector<32x200x64xf32> to vector<32x200xf32>
    %broadcast_in_dim3A_13 = vector.shape_cast %reduce_sum3A_12 : vector<32x200xf32> to vector<32x200x1xf32>
    %div3A_14 = arith.constant 6.400000e+01 : f32
    %div3A_15 = vector.broadcast %div3A_14 : f32 to vector<32x200x1xf32>
    %div3A_16 = arith.divf %broadcast_in_dim3A_13, %div3A_15 : vector<32x200x1xf32>
    %add3A_17 = arith.constant 9.99999996E-13 : f32
    %add3A_18 = vector.broadcast %add3A_17 : f32 to vector<32x200x1xf32>
    %add3A_19 = arith.addf %div3A_16, %add3A_18 : vector<32x200x1xf32>
    %rsqrt3A = math.rsqrt %add3A_19 : vector<32x200x1xf32>
    %mul3A_20 = vector.broadcast %rsqrt3A : vector<32x200x1xf32> to vector<32x200x64xf32>
    %mul3A_21 = arith.mulf %sub3A_10, %mul3A_20 : vector<32x200x64xf32>
    %get3A_22 = arith.constant 0 : index
    %get3A_23 = vector.load %arg3[%get3A_22] : memref<64xf32, #tpu.memory_space<vmem>>, vector<64xf32>
    %broadcast_in_dim3A_24 = vector.shape_cast %get3A_23 : vector<64xf32> to vector<1x1x64xf32>
    %mul3A_25 = vector.broadcast %broadcast_in_dim3A_24 : vector<1x1x64xf32> to vector<32x200x64xf32>
    %mul3A_26 = arith.mulf %mul3A_21, %mul3A_25 : vector<32x200x64xf32>
    %get3A_27 = arith.constant 0 : index
    %get3A_28 = vector.load %arg4[%get3A_27] : memref<64xf32, #tpu.memory_space<vmem>>, vector<64xf32>
    %broadcast_in_dim3A_29 = vector.shape_cast %get3A_28 : vector<64xf32> to vector<1x1x64xf32>
    %add3A_30 = vector.broadcast %broadcast_in_dim3A_29 : vector<1x1x64xf32> to vector<32x200x64xf32>
    %add3A_31 = arith.addf %mul3A_26, %add3A_30 : vector<32x200x64xf32>
    %swap3A = arith.constant 0 : index
    %swap3A_32 = arith.constant 0 : index
    %swap3A_33 = arith.constant 0 : index
    %swap3A_34 = vector.load %arg5[%swap3A, %swap3A_32, %swap3A_33] : memref<32x200x64xf32, #tpu.memory_space<vmem>>, vector<32x200x64xf32>
    tpu.vector_store %arg5[%swap3A, %swap3A_32, %swap3A_33], %add3A_31 {strides = array<i32>} : memref<32x200x64xf32, #tpu.memory_space<vmem>>, vector<32x200x64xf32>,
    return
  }
  func.func @transform_0(%arg0: i32) -> (i32, i32) {
    %c0_i32 = arith.constant 0 : i32
    %c0_i32_0 = arith.constant 0 : i32
    return %arg0, %c0_i32 : i32, i32
  }
  func.func @transform_1(%arg0: i32) -> (i32, i32) {
    %c0_i32 = arith.constant 0 : i32
    %c0_i32_0 = arith.constant 0 : i32
    %c0_i32_1 = arith.constant 0 : i32
    return %c0_i32, %c0_i32_0 : i32, i32
  }
  func.func @transform_2(%arg0: i32) -> i32 {
    %c0_i32 = arith.constant 0 : i32
    %c0_i32_0 = arith.constant 0 : i32
    return %c0_i32 : i32
  }
  func.func @transform_3(%arg0: i32) -> i32 {
    %c0_i32 = arith.constant 0 : i32
    %c0_i32_0 = arith.constant 0 : i32
    return %c0_i32 : i32
  }
  func.func @transform_4(%arg0: i32) -> (i32, i32, i32) {
    %c0_i32 = arith.constant 0 : i32
    %c0_i32_0 = arith.constant 0 : i32
    %c0_i32_1 = arith.constant 0 : i32
    return %arg0, %c0_i32, %c0_i32_0 : i32, i32, i32
  }
}

</mosaic_0001>

<sc_bundles>
// kernel: kernel.4.cloned.1.call-start
scs
__scs_entry_jumppad:
0x0: {  	(pc) =	sbr.rel $0x88, $3  }
0x1: {  	(tag) =	ssettag $0x0;
	lr =	simm.s32 $0x1  }
0x2: {  	[smem:$0x3F9C] =	sst lr;
	_ =	strace $0xD0000000  }
0x3: {  	_ = 	snop  }
0x4: {  	_ = 	snop  }
0x5: {  	_ = 	snop  }
0x6: {  	_ = 	snop  }
0x7: {  	_ = 	snop  }
__scs_overlays_trampoline_lowered:
0x8: {  	[smem:$0x3FAB] =	sst s0  }
0x9: {  	[smem:$0x3FAC] =	sst s1  }
0xa: {  	[smem:$0x3FAD] =	sst s2  }
0xb: {  	[smem:$0x3FAE] =	sst s3  }
0xc: {  	[smem:$0x3FAF] =	sst s4  }
0xd: {  	[smem:$0x3FB0] =	sst s5  }
0xe: {  	[smem:$0x3FB1] =	sst s6  }
0xf: {  	[smem:$0x3FB2] =	sst s7  }
0x10: {  	[smem:$0x3FB3] =	sst s8  }
0x11: {  	[smem:$0x3FB4] =	sst s9;
	s0 =	simm.s32 @!p0 $0x0  }
0x12: {  	s1 =	sld [smem:$0x3F9A];
	s0 =	simm.s32 @p0 $0x1  }
0x13: {  	[smem:$0x3FB5] =	sst s0;
	s0 =	simm.s32 @!p1 $0x0  }
0x14: {  	s2 =	sld [smem:$0x3F99];
	s0 =	simm.s32 @p1 $0x1  }
0x15: {  	[smem:$0x3FB6] =	sst s0;
	s0 =	simm.s32 @!p2 $0x0  }
0x16: {  	s3 =	sld [smem:$0x3FDB];
	s0 =	simm.s32 @p2 $0x1  }
0x17: {  	s4 =	simm.s32 $0x1BF5;
	[smem:$0x3FB8] =	sst s0  }
0x18: {  	s0 =	sld [smem:$0x3F9B];
	_ =	swait.ge [sflag:s4], $0x0  }
0x19: {  	s7 =	sld [smem:$0x3F9C]  }
0x1a: {  	s8 =	sadd.s32 $0xFFFFE003, lr  }
0x1b: {  	s9 =	sadd.s32 $0xFFFFFEF7, lr;
	s5 =	simm.s32 $0xFFFFFFFF;
	p2 =	slt.u32 s8, $0xFFFFF086  }
0x1c: {  	p1 =	slt.u32 s9, $0xF7A;
	s5 =	simm.s32 @!p2 $0x0  }
0x1d: {  	s5 =	simm.s32 @p1 $0x1;
	p0 =	seq.s32 s7, s2  }
0x1e: {  	s7 =	smul.u32 @!p0 $0xF7A, s2;
	p2 =	seq.s32 @!p0 s5, $0x0  }
0x1f: {  	s9 =	smul.u32 $0xF7A, s1;
	s8 =	simm.s32 @!p0 $0x1BF5;
	p2 =	por !p2, p0  }
0x20: {  	[sflag:s8] =	ssyncset.s32 @!p0 $0xFFFFF086;
	s6 =	sadd.s32 @!p0 s3, s7;
	s7 =	simm.s32 @!p0 $0x108  }
0x21: {  	s3 =	sadd.s32 s3, s9;
	s6 =	sadd.s32 @!p0 $0x88, s6;
	s7 =	simm.s32 @p2 $0x1082  }
0x22: {  	[simem:s7], [sflag:s8] =	dma.local @!p0 [hbm:s6], $0xF7A  }
0x23: {  	s9 =	sor.u32 $0xD0000000, s2;
	s6 =	simm.s32 $0x108;
	_ =	swait.ge @!p0 [sflag:s8], $0x0  }
0x24: {  	s3 =	sadd.s32 $0x88, s3;
	s6 =	simm.s32 @!p1 $0x1082;
	[sflag:s4] =	ssyncset.s32 $0xFFFFF086  }
0x25: {  	[simem:s6], [sflag:s4] =	dma.local [hbm:s3], $0xF7A  }
0x26: {  	[smem:$0x3F9C] =	sst s1;
	(tag) =	ssettag s2;
	_ =	strace s9  }
0x27: {  	s1 =	sld [smem:$0x3FAC]  }
0x28: {  	s2 =	sld [smem:$0x3FAD]  }
0x29: {  	s4 =	sld [smem:$0x3FAF]  }
0x2a: {  	p0 =	seq.s32 s5, $0x0;
	s5 =	sld [smem:$0x3FB0]  }
0x2b: {  	s6 =	sld [smem:$0x3FB1]  }
0x2c: {  	s7 =	sld [smem:$0x3FB2]  }
0x2d: {  	s3 =	simm.s32 $0x108;
	s8 =	sld [smem:$0x3FB3]  }
0x2e: {  	s3 =	simm.s32 @!p0 $0x1082;
	s9 =	sld [smem:$0x3FB4]  }
0x2f: {  	lr =	sadd.s32 s0, s3;
	s0 =	sld [smem:$0x3FAB]  }
0x30: {  	s3 =	sld [smem:$0x3FAE]  }
0x31: {  	[smem:$0x3FB7] =	sst s10  }
0x32: {  	s10 =	sld [smem:$0x3FB5];
	_ =	sdelay $0x3  }
0x33: {  	p0 =	seq.s32 s10, $0x1;
	s10 =	sld [smem:$0x3FB7];
	_ =	sdelay $0x3  }
0x34: {  	[smem:$0x3FB7] =	sst s10  }
0x35: {  	s10 =	sld [smem:$0x3FB6];
	_ =	sdelay $0x3  }
0x36: {  	p1 =	seq.s32 s10, $0x1;
	s10 =	sld [smem:$0x3FB7];
	_ =	sdelay $0x3  }
0x37: {  	[smem:$0x3FB7] =	sst s10  }
0x38: {  	s10 =	sld [smem:$0x3FB8]  }
0x39: {  	_ = 	snop;
	(pc) =	sbr.ind lr, $3  }
0x3a: {  	_ = 	snop  }
0x3b: {  	_ = 	snop  }
0x3c: {  	p2 =	seq.s32 s10, $0x1;
	s10 =	sld [smem:$0x3FB7]  }
0x3d: {  	_ =	shalt  }
0x3e: {  	_ =	shalt  }
0x3f: {  	_ =	shalt  }
0x40: {  	_ =	shalt  }
0x41: {  	_ =	shalt  }
0x42: {  	_ =	shalt  }
0x43: {  	_ =	shalt  }
0x44: {  	_ =	shalt  }
0x45: {  	_ =	shalt  }
0x46: {  	_ =	shalt  }
0x47: {  	_ =	shalt  }
0x48: {  	_ =	shalt  }
0x49: {  	_ =	shalt  }
0x4a: {  	_ =	shalt  }
0x4b: {  	_ =	shalt  }
0x4c: {  	_ =	shalt  }
0x4d: {  	_ =	shalt  }
0x4e: {  	_ =	shalt  }
0x4f: {  	_ =	shalt  }
0x50: {  	_ =	shalt  }
0x51: {  	_ =	shalt  }
0x52: {  	_ =	shalt  }
0x53: {  	_ =	shalt  }
0x54: {  	_ =	shalt  }
0x55: {  	_ =	shalt  }
0x56: {  	_ =	shalt  }
0x57: {  	_ =	shalt  }
0x58: {  	_ =	shalt  }
0x59: {  	_ =	shalt  }
0x5a: {  	_ =	shalt  }
0x5b: {  	_ =	shalt  }
0x5c: {  	_ =	shalt  }
0x5d: {  	_ =	shalt  }
0x5e: {  	_ =	shalt  }
0x5f: {  	_ =	shalt  }
0x60: {  	_ =	shalt  }
0x61: {  	_ =	shalt  }
0x62: {  	_ =	shalt  }
0x63: {  	_ =	shalt  }
0x64: {  	_ =	shalt  }
0x65: {  	_ =	shalt  }
0x66: {  	_ =	shalt  }
0x67: {  	_ =	shalt  }
0x68: {  	_ =	shalt  }
0x69: {  	_ =	shalt  }
0x6a: {  	_ =	shalt  }
0x6b: {  	_ =	shalt  }
0x6c: {  	_ =	shalt  }
0x6d: {  	_ =	shalt  }
0x6e: {  	_ =	shalt  }
0x6f: {  	_ =	shalt  }
0x70: {  	_ =	shalt  }
0x71: {  	_ =	shalt  }
0x72: {  	_ =	shalt  }
0x73: {  	_ =	shalt  }
0x74: {  	_ =	shalt  }
0x75: {  	_ =	shalt  }
0x76: {  	_ =	shalt  }
0x77: {  	_ =	shalt  }
0x78: {  	_ =	shalt  }
0x79: {  	_ =	shalt  }
0x7a: {  	_ =	shalt  }
0x7b: {  	_ =	shalt  }
0x7c: {  	_ =	shalt  }
0x7d: {  	_ =	shalt  }
0x7e: {  	_ =	shalt  }
0x7f: {  	_ =	shalt  }
0x80: {  	_ =	shalt  }
0x81: {  	_ =	shalt  }
0x82: {  	_ =	shalt  }
0x83: {  	_ =	shalt  }
0x84: {  	_ =	shalt  }
0x85: {  	_ =	shalt  }
0x86: {  	_ =	shalt  }
0x87: {  	_ =	shalt  }
.Lfunc_end0:
.L_simem_size_0:
called_computation_lowered:
.L_overlay_start_0:
0x88: {  	s2 =	sld [smem:$0x3FD9]  }
0x89: {  	s3 =	sld [smem:$0x3FFE];
	_ =	sdelay $0x1  }
0x8a: {  	s1 =	srdreg.scid  }
0x8b: {  	s0 =	sand.u32 $0x1, s1  }
0x8c: {  	s16 =	sshll.u32 s0, $0xA;
	s2 =	sadd.s32 s3, s2  }
0x8d: {  	s2 =	sadd.s32 s2, s16  }
0x8e: {  	[smem:$0x3FC3] =	sst s2  }
0x8f: {  	_ = 	snop  }
0x90: {  	(tm) =	ssettm $0x1  }
0x91: {  	s17 =	sld [smem:$0x3FFB];
	_ =	sdelay $0x3  }
0x92: {  	_ =	strace s17  }
0x93: {  	s2 =	sld [smem:$0x3FFC];
	_ =	sdelay $0x3  }
0x94: {  	_ =	strace s2  }
0x95: {  	s2 =	sld [smem:$0x3FFD];
	_ =	sdelay $0x3  }
0x96: {  	_ =	strace s2  }
0x97: {  	_ =	strace $0x8FFFFFFF  }
0x98: {  	s18 =	sld [smem:$0x3FDB];
	_ =	sdelay $0x1  }
0x99: {  	s19 =	simm.s32 $_scs_section_size  }
0x9a: {  	s4 =	simm.s32 $_size__tile_overlayer_lowered;
	s5 =	simm.s32 $_tile_overlayer_lowered  }
0x9b: {  	s22 =	simm.s32 $0x1BFF;
	s21 =	sshll.u32 s5, $0x1;
	s2 =	sadd.s32 s19, s18  }
0x9c: {  	s6 =	simm.s32 $0x0;
	s20 =	sshll.u32 s4, $0x1;
	s4 =	sadd.s32 s21, s2  }
0x9d: {  	[timem:s6], [sflag:s22] =	dma.local [hbm:s4], s20  }
0x9e: {  	_ =	swait.ge [sflag:s22], s20  }
0x9f: {  	s3 =	ssub.s32 $0x0, s20;
	[sflag:s22] =	ssyncset.done $0x0  }
0xa0: {  	[sflag:s22] =	ssyncadd.s32 s3;
	_ =	sdelay $0x1  }
0xa1: {  	s23 =	simm.s32 $0x1B8B  }
0xa2: {  	_ =	swait.ge [sflag:s23], $0x1  }
0xa3: {  	[sflag:s23] =	ssyncset.done $0x0  }
0xa4: {  	s25 =	simm.s32 $0x1B8E;
	s24 =	sld [smem:$0x3FFE];
	[sflag:s23] =	ssyncadd.s32 $0xFFFFFFFF  }
0xa5: {  	s26 =	simm.s32 $execute0_lowered;
	[smem:$0x3FD2] =	sst s25  }
0xa6: {  	s4 =	sshll.u32 s26, $0x1;
	_ =	strace $0x80000046;
	[dreg:$0x1] =	wrdreg $0xFFFFFFFF  }
0xa7: {  	s28 =	simm.s32 $_size_execute0_lowered;
	s2 =	sadd.s32 s2, s4;
	[dreg:$0x0] =	wrdreg $0x0  }
0xa8: {  	s4 =	sshll.u32 s28, $0x1;
	[dreg:$0x2] =	wrdreg s2  }
0xa9: {  	[dreg:$0x3] =	wrdreg s4  }
0xaa: {  	[dreg:$0x4] =	wrdreg $0xC0  }
0xab: {  	_ =	task [dreg:s6], $0x5FFFF  }
0xac: {  	[dreg:$0x1] =	wrdreg $0xFFFFFFFF  }
0xad: {  	[dreg:$0x0] =	wrdreg $0x60  }
0xae: {  	[dreg:$0x2] =	wrdreg s24  }
0xaf: {  	[dreg:$0x3] =	wrdreg $0x9  }
0xb0: {  	_ =	task.clear_ibuf [dreg:s6], $0x4FFFF;
	_ =	strace $0x90000046  }
0xb1: {  	s29 =	simm.s32 $0x9;
	_ =	strace $0x80000048  }
0xb2: {  	_ =	swait.ge [sflag:s29], $0x1  }
0xb3: {  	[sflag:s29] =	ssyncadd.s32 $0xFFFFFFFF  }
0xb4: {  	_ =	strace $0x90000048  }
0xb5: {  	_ =	sfence  }
0xb6: {  	s30 =	sld [smem:$0x0];
	_ =	sdelay $0x2  }
0xb7: {  	s31 =	sshll.u32 s1, $0xD;
	s1 =	sshrl.u32 s1, $0x2  }
0xb8: {  	s3 =	sand.u32 $0x4000, s31;
	s1 =	sadd.s32 s1, s30  }
0xb9: {  	s0 =	sor.u32 s3, s0;
	s1 =	sshll.u32 s1, $0x11  }
0xba: {  	s0 =	sor.u32 s1, s0  }
0xbb: {  	s0 =	sadd.s32 $0x8F2B, s0  }
0xbc: {  	[sflag:s0] =	ssyncadd.remote.s32 $0x1  }
0xbd: {  	_ =	sfence.sel $0xFFFF  }
0xbe: {  	[dreg:$0x0] =	wrdreg $0xFFFFFFFF;
	(pc) =	sbr.abs _section_cstart, $3  }
0xbf: {  	[dreg:$0x1] =	wrdreg $0xFFFFFFFF  }
0xc0: {  	_ =	task.clear_ibuf [dreg:s6], $0x2FFFF;
	_ =	strace $0x9FFFFFFF  }
0xc1: {  	(tm) =	ssettm $0x7FFFFFFF  }
tec
execute0_lowered:
.L_overlay_start_1:
0x0: {  	(tag) =	ssettag $0x1  }
0x1: {  	s4 =	rddreg [dreg:$0x0];
	s2 =	srdreg.scid  }
0x2: {  	s0 =	stileid.u32;
	s18 =	simm.s32 $0xD0;
	s19 =	simm.s32 $0x33A0  }
0x3: {  	s20 =	simm.s32 $0x138;
	s21 =	simm.s32 $0x4CA0;
	s22 =	simm.s32 $0x1  }
0x4: {  	s23 =	simm.s32 $0x40;
	s24 =	simm.s32 $0x80;
	s25 =	simm.s32 $0x2  }
0x5: {  	s28 =	simm.s32 $0x4;
	s29 =	simm.s32 $0x0;
	s10 =	sand.u32 $0x1, s2  }
0x6: {  	s2 =	simm.s32 $0x0;
	s3 =	sshll.u32 s0, $0x6;
	s15 =	smul.u32 $0x680, s0  }
0x7: {  	s11 =	sadd.s32 $0xC00, s4;
	s13 =	sadd.s32 $0xCAA00, s4;
	s16 =	smul.u32 $0x32000, s0  }
0x8: {  	s5 =	sshll.u32 s10, $0x5;
	[smem:$0x7FF] =	sst s2;
	s31 =	smul.u32 $0x19000, s10  }
0x9: {  	s9 =	ssub.s32 $0x2, s10;
	s17 =	smul.u32 $0x340, s10;
	s5 =	sor.u32 s5, s3  }
0xa: {  	_ =	strace $0x80000047;
	s3 =	sadd.s32 $0x7400, s4;
	s6 =	smul.u32 $0x1A, s5  }
0xb: {  	s26 =	sshrl.u32 s9, $0x1;
	s7 =	sor.u32 $0x2, s5;
	s8 =	smul.u32 $0xC80, s5  }
0xc: {  	s5 =	sor.u32 $0x3, s5;
	s30 =	ssub.s32 s9, s26;
	s12 =	smul.u32 $0x1A, s7  }
0xd: {  	s26 =	simm.s32 $0x3;
	s14 =	smul.u32 $0x1A, s5;
	s4 =	sadd.s32 s11, s6  }
0xe: {  	s6 =	smax.u32 s30, $0x1;
	s7 =	sadd.s32 s13, s8;
	s13 =	sadd.s32 s16, s13  }
.Ltmp0:
0xf: {  	s16 =	simm.s32 $0x68;
	s1 =	sadd.s32 $0x1A, s4;
	(pc) =	sbr.rel .LBB2_1-.Ltmp0, $4  }
0x10: {  	s8 =	sadd.s32 s11, s12;
	s9 =	sadd.s32 $0xC80, s7;
	s10 =	sadd.s32 s11, s14  }
0x11: {  	s11 =	sadd.s32 s15, s11;
	s12 =	sadd.s32 s31, s13;
	s13 =	simm.s32 $0x5  }
0x12: {  	s14 =	simm.s32 $0x64;
	s15 =	simm.s32 $0x1A0;
	[dreg:$0x2] =	wrdreg s1  }
0x13: {  	s11 =	sadd.s32 s17, s11;
	s12 =	sadd.s32 $0x1900, s12;
	s17 =	simm.s32 $0x1AA0  }
.LBB2_4:
0x14: {  	s29 =	sadd.s32 $0x1, s29  }
0x15: {  	_ =	swait.ge [sflag:s26], $0x3200;
	p0 =	sne.s32 s29, s6  }
.Ltmp1:
0x16: {  	[sflag:s26] =	ssyncset.done $0x0;
	(pc) =	sbr.rel @!p0 .LBB2_5-.Ltmp1, $4  }
0x17: {  	[sflag:s26] =	ssyncadd.s32 $0xFFFFCE00  }
0x18: {  	_ =	swait.ge [sflag:s28], $0x3200  }
0x19: {  	[sflag:s28] =	ssyncset.done $0x0  }
0x1a: {  	[sflag:s28] =	ssyncadd.s32 $0xFFFFCE00  }
.LBB2_1:
0x1b: {  	[tilespmem:s2], [sflag:$0x5] =	stream.linear.gather [hbm4b:s4+s2], $0xD0, $0x38;
	[tilespmem:$0x65A0] =	vst v63  }
0x1c: {  	_ =	swait.ge [sflag:s13], $0xD0  }
0x1d: {  	[sflag:s13] =	ssyncset.done $0x0  }
0x1e: {  	[sflag:s13] =	ssyncadd.s32 $0xFFFFFF30  }
0x1f: {  	[tilespmem:s15], [sflag:$0x1] =	stream.indirect.gather [hbm4b:s3+s14], $0x40, s2, s14, $0xb8;
	[tilespmem:$0x65A0] =	vst v63  }
0x20: {  	_ = 	snop  }
0x21: {  	[tilespmem:s17], [sflag:$0x1] =	stream.indirect.gather [hbm4b:s3+s14], $0x40, s16, s14, $0xb8;
	[tilespmem:$0x65A0] =	vst v63  }
0x22: {  	s0 =	rddreg [dreg:$0x2]  }
0x23: {  	[tilespmem:s18], [sflag:$0x5] =	stream.linear.gather [hbm4b:s0+s2], $0xD0, $0x38;
	[tilespmem:$0x65A0] =	vst v63  }
0x24: {  	_ =	swait.ge [sflag:s13], $0xD0  }
0x25: {  	[sflag:s13] =	ssyncset.done $0x0  }
0x26: {  	[sflag:s13] =	ssyncadd.s32 $0xFFFFFF30  }
0x27: {  	[tilespmem:s19], [sflag:$0x2] =	stream.indirect.gather [hbm4b:s3+s14], $0x40, s18, s14, $0xb8;
	[tilespmem:$0x65A0] =	vst v63  }
0x28: {  	_ = 	snop  }
0x29: {  	[tilespmem:s21], [sflag:$0x2] =	stream.indirect.gather [hbm4b:s3+s14], $0x40, s20, s14, $0xb8;
	[tilespmem:$0x65A0] =	vst v63  }
0x2a: {  	_ =	swait.ge [sflag:s22], $0x3200  }
0x2b: {  	[sflag:s22] =	ssyncset.done $0x0  }
0x2c: {  	[sflag:s22] =	ssyncadd.s32 $0xFFFFCE00  }
0x2d: {  	[hbm4b:s7+s23] =	stream.strided.scatter [tilespmem:s15], [sflag:$0x3], $0x3200, s24, s23, $0x38;
	[tilespmem:$0x65A0] =	vst v63  }
0x2e: {  	_ = 	snop  }
0x2f: {  	[tilespmem:s2], [sflag:$0x5] =	stream.linear.gather [hbm4b:s8+s2], $0xD0, $0x38;
	[tilespmem:$0x65A0] =	vst v63  }
0x30: {  	_ =	swait.ge [sflag:s13], $0xD0  }
0x31: {  	[sflag:s13] =	ssyncset.done $0x0  }
0x32: {  	[sflag:s13] =	ssyncadd.s32 $0xFFFFFF30  }
0x33: {  	[tilespmem:s15], [sflag:$0x1] =	stream.indirect.gather [hbm4b:s3+s14], $0x40, s2, s14, $0xb8;
	[tilespmem:$0x65A0] =	vst v63  }
0x34: {  	_ = 	snop  }
0x35: {  	[tilespmem:s17], [sflag:$0x1] =	stream.indirect.gather [hbm4b:s3+s14], $0x40, s16, s14, $0xb8;
	[tilespmem:$0x65A0] =	vst v63  }
0x36: {  	_ =	swait.ge [sflag:s25], $0x3200  }
0x37: {  	[sflag:s25] =	ssyncset.done $0x0  }
0x38: {  	[sflag:s25] =	ssyncadd.s32 $0xFFFFCE00  }
0x39: {  	[hbm4b:s9+s23] =	stream.strided.scatter [tilespmem:s19], [sflag:$0x4], $0x3200, s24, s23, $0x38;
	[tilespmem:$0x65A0] =	vst v63  }
0x3a: {  	_ = 	snop  }
0x3b: {  	[tilespmem:s18], [sflag:$0x5] =	stream.linear.gather [hbm4b:s10+s2], $0xD0, $0x38;
	[tilespmem:$0x65A0] =	vst v63  }
0x3c: {  	_ =	swait.ge [sflag:s13], $0xD0  }
0x3d: {  	[sflag:s13] =	ssyncset.done $0x0  }
0x3e: {  	[sflag:s13] =	ssyncadd.s32 $0xFFFFFF30  }
0x3f: {  	[tilespmem:s19], [sflag:$0x2] =	stream.indirect.gather [hbm4b:s3+s14], $0x40, s18, s14, $0xb8;
	[tilespmem:$0x65A0] =	vst v63  }
0x40: {  	s30 =	smov.u32 s12;
	s31 =	simm.s32 $0x0  }
0x41: {  	[tilespmem:s21], [sflag:$0x2] =	stream.indirect.gather [hbm4b:s3+s14], $0x40, s20, s14, $0xb8;
	[tilespmem:$0x65A0] =	vst v63  }
.LBB2_2:
0x42: {  	_ =	swait.ge [sflag:s22], $0x3200  }
0x43: {  	[sflag:s22] =	ssyncset.done $0x0  }
0x44: {  	[sflag:s22] =	ssyncadd.s32 $0xFFFFCE00  }
0x45: {  	_ =	swait.ge [sflag:s26], $0x3200  }
0x46: {  	p0 =	seq.s32 s31, $0x2D8;
	[sflag:s26] =	ssyncset.done $0x0  }
0x47: {  	s0 =	sadd.s32 @!p0 s31, s11;
	[sflag:s26] =	ssyncadd.s32 $0xFFFFCE00  }
0x48: {  	[hbm4b:s30+s23] =	stream.strided.scatter [tilespmem:s15], [sflag:$0x3], $0x3200, s24, s23, $0x38;
	[tilespmem:$0x65A0] =	vst v63  }
0x49: {  	s1 =	simm.s32 @!p0 $0x0;
	s0 =	sadd.s32 @!p0 $0x68, s0  }
0x4a: {  	[tilespmem:s1], [sflag:$0x5] =	stream.linear.gather @!p0 [hbm4b:s0+s1], $0xD0, $0x38;
	[tilespmem:$0x65A0] =	vst v63  }
0x4b: {  	s0 =	simm.s32 @!p0 $0x5  }
0x4c: {  	_ =	swait.ge @!p0 [sflag:s0], $0xD0  }
0x4d: {  	[sflag:s0] =	ssyncset.done @!p0 $0x0  }
0x4e: {  	s5 =	simm.s32 @!p0 $0x1A0;
	[sflag:s0] =	ssyncadd.s32 @!p0 $0xFFFFFF30;
	s0 =	simm.s32 @!p0 $0x64  }
0x4f: {  	[tilespmem:s5], [sflag:$0x1] =	stream.indirect.gather @!p0 [hbm4b:s3+s0], $0x40, s1, s0, $0xb8;
	[tilespmem:$0x65A0] =	vst v63  }
0x50: {  	s1 =	simm.s32 @!p0 $0x68;
	s5 =	simm.s32 @!p0 $0x1AA0  }
0x51: {  	[tilespmem:s5], [sflag:$0x1] =	stream.indirect.gather @!p0 [hbm4b:s3+s0], $0x40, s1, s0, $0xb8;
	[tilespmem:$0x65A0] =	vst v63  }
0x52: {  	_ =	swait.ge [sflag:s25], $0x3200  }
0x53: {  	[sflag:s25] =	ssyncset.done $0x0  }
.Ltmp2:
0x54: {  	[sflag:s25] =	ssyncadd.s32 $0xFFFFCE00;
	(pc) =	sbr.rel @p0 .LBB2_4-.Ltmp2, $4  }
0x55: {  	_ =	swait.ge [sflag:s28], $0x3200  }
0x56: {  	[sflag:s28] =	ssyncset.done $0x0  }
0x57: {  	s5 =	sadd.s32 $0xC80, s30;
	[sflag:s28] =	ssyncadd.s32 $0xFFFFCE00  }
0x58: {  	[hbm4b:s5+s23] =	stream.strided.scatter [tilespmem:s19], [sflag:$0x4], $0x3200, s24, s23, $0x38;
	[tilespmem:$0x65A0] =	vst v63  }
0x59: {  	s0 =	sadd.s32 s31, s11  }
0x5a: {  	s0 =	sadd.s32 $0x82, s0  }
0x5b: {  	[tilespmem:s18], [sflag:$0x5] =	stream.linear.gather [hbm4b:s0+s2], $0xD0, $0x38;
	[tilespmem:$0x65A0] =	vst v63  }
0x5c: {  	_ =	swait.ge [sflag:s13], $0xD0  }
.Ltmp3:
0x5d: {  	[sflag:s13] =	ssyncset.done $0x0;
	(pc) =	sbr.rel .LBB2_2-.Ltmp3, $4  }
0x5e: {  	[sflag:s13] =	ssyncadd.s32 $0xFFFFFF30  }
0x5f: {  	[tilespmem:s19], [sflag:$0x2] =	stream.indirect.gather [hbm4b:s3+s14], $0x40, s18, s14, $0xb8;
	[tilespmem:$0x65A0] =	vst v63  }
0x60: {  	s31 =	sadd.s32 $0x34, s31;
	s30 =	sadd.s32 $0x1900, s30  }
0x61: {  	[tilespmem:s21], [sflag:$0x2] =	stream.indirect.gather [hbm4b:s3+s14], $0x40, s20, s14, $0xb8;
	[tilespmem:$0x65A0] =	vst v63  }
.LBB2_5:
0x62: {  	_ =	sfence.sel $0x180000  }
0x63: {  	[bflag:$0x0] =	sbarrier.arrive $0xFFFF  }
0x64: {  	_ =	strace $0x90000047  }
0x65: {  	s0 =	stileid.u32;
	[bflag:$0x2] =	sbarrier.arrive $0xFFFF  }
0x66: {  	p0 =	sne.s32 s0, $0x0;
	s0 =	rddreg [dreg:$0x1]  }
0x67: {  	s0 =	sadd.s32 @!p0 $0x100000, s0  }
0x68: {  	[sflag:s0] =	ssyncadd.tile.s32 @!p0 $0x1;
	_ =	shalt  }
.Lfunc_end2:
_tile_overlayer_lowered:
.L_overlay_start_2:
0x69: {  	(tag) =	ssettag $0x2  }
0x6a: {  	s0 =	rddreg [dreg:$0x0];
	s2 =	stileid.u32  }
0x6b: {  	s1 =	rddreg [dreg:$0x1];
	p0 =	sne.s32 s2, $0x0  }
0x6c: {  	s3 =	rddreg [dreg:$0x2];
	[bflag:$0x3] =	sbarrier.arrive $0xFFFF;
	s2 =	simm.s32 @!p0 $0x1C05  }
0x6d: {  	[timem:s3], [sflag:s2] =	dma.local @!p0 [hbm:s0], s1  }
0x6e: {  	s0 =	simm.s32 @!p0 $0x5  }
0x6f: {  	_ =	swait.ge @!p0 [sflag:s0], s1  }
0x70: {  	s1 =	ssub.s32 @!p0 $0x0, s1;
	[sflag:s0] =	ssyncset.done @!p0 $0x0  }
0x71: {  	[sflag:s0] =	ssyncadd.s32 @!p0 s1  }
0x72: {  	[bflag:$0x3] =	sbarrier.arrive $0xFFFF  }
0x73: {  	_ =	shalt  }

</sc_bundles>
